<compile_context>
chip_gen: v7x
topology: tpu7x:2x2x1
jax: 0.10.2.dev20260603
libtpu: 0.0.44.dev20260713+nightly
codegen_flags: <defaults>
</compile_context>

<pallas_src>
import jax
import jax.numpy as jnp
from jax.experimental import pallas as pl

P = 1024
S = 512
HW = S * S
ROWS = 8
TW = ROWS * S
NT = HW // TW


def _conv_body(fm_ref, w_ref, b_ref, pft_ref, x_ref, bm_ref):
    j = pl.program_id(1)
    fmb = fm_ref[0].astype(jnp.bfloat16)
    wb = w_ref[...].astype(jnp.bfloat16)
    acc = jax.lax.dot_general(fmb, wb, (((0,), (1,)), ((), ())),
                              preferred_element_type=jnp.float32)
    pfx = acc + b_ref[...][None, :]
    sq = pfx * pfx
    x = jnp.sum(sq, axis=1)
    acc_t = jax.lax.dot_general(wb, fmb, (((1,), (0,)), ((), ())),
                                preferred_element_type=jnp.float32)
    pft_ref[0] = acc_t + b_ref[...][:, None]
    pix = j * TW + jax.lax.broadcasted_iota(jnp.int32, (TW,), 0)
    h = pix >> 9
    w = pix & (S - 1)
    valid = (h >= 3) & (h < S - 3) & (w >= 3) & (w < S - 3)
    xm = jnp.where(valid, x, -1.0)
    x_ref[0, 0] = xm
    m = xm[0:S]
    for r in range(1, ROWS):
        m = jnp.maximum(m, xm[r * S:(r + 1) * S])
    bm_ref[0, 0, 0] = m


def _conv(fmr, conv_w, conv_b):
    B, C, _ = fmr.shape
    O = conv_w.shape[0]
    grid = (B, NT)
    return pl.pallas_call(
        _conv_body,
        grid=grid,
        in_specs=[
            pl.BlockSpec((1, C, TW), lambda b, j: (b, 0, j)),
            pl.BlockSpec((O, C), lambda b, j: (0, 0)),
            pl.BlockSpec((O,), lambda b, j: (0,)),
        ],
        out_specs=[pl.BlockSpec((1, O, TW), lambda b, j: (b, 0, j)),
                   pl.BlockSpec((1, 1, TW), lambda b, j: (b, 0, j)),
                   pl.BlockSpec((1, 1, 1, S), lambda b, j: (b, j, 0, 0))],
        out_shape=[jax.ShapeDtypeStruct((B, O, HW), jnp.float32),
                   jax.ShapeDtypeStruct((B, 1, HW), jnp.float32),
                   jax.ShapeDtypeStruct((B, NT, 1, S), jnp.float32)],
    )(fmr, conv_w, conv_b)


def kernel(featureMaps, conv_w, conv_b):
    B, C, _, _ = featureMaps.shape
    O = conv_w.shape[0]
    fmr = featureMaps.reshape(B, C, HW)
    pft, xk, bmax = _conv(fmr, conv_w, conv_b)
    flatX = xk.reshape(B, HW)
    _, idx = jax.lax.top_k(flatX, P)
    w512 = idx & (S - 1)
    h512 = idx >> 9
    absf = (w512 - 3).astype(jnp.float32)
    ordf = (h512 - 3).astype(jnp.float32)
    gidx = jnp.broadcast_to(idx[:, None, :], (B, O, P))
    pointFeat = jnp.take_along_axis(pft, gidx, axis=2).transpose(0, 2, 1)
    depth = jnp.zeros((B, P, 1), dtype=jnp.float32)
    points_out = jnp.concatenate(
        [absf[..., None], ordf[..., None], depth, pointFeat], axis=-1)
    batch = jnp.repeat(jnp.arange(B), P)
    pos = jnp.concatenate([absf[..., None], ordf[..., None], depth],
                          axis=-1).reshape(B * P, 3)
    pointfeatures = pointFeat.reshape(B * P, O)
    return points_out, batch, pos, pointfeatures

# --- scband reference (transcript-rebuilt; emitter-appended) ---
"""Pipeline reference for scband-topk-point-extractor-20066087207077 (READ-ONLY COPY).

The authoritative reference and input builder live on the scoring server;
editing this copy changes nothing except your own understanding.
"""

import jax, jax.numpy as jnp
import numpy as np

P = 1024

def setup_inputs(seed: int = 0) -> dict:
    key = jax.random.key(seed)
    k1, k2, k3 = jax.random.split(key, 3)
    featureMaps = jax.random.normal(k1, (4, 96, 512, 512), dtype=jnp.float32)
    conv_w = jax.random.normal(k2, (16, 96), dtype=jnp.float32) * 0.05
    conv_b = jax.random.normal(k3, (16,), dtype=jnp.float32) * 0.05
    return {"featureMaps": featureMaps, "conv_w": conv_w, "conv_b": conv_b}

def reference(featureMaps, conv_w, conv_b):
    # crop 3 pixels on each spatial border
    fm = featureMaps[:, :, 3:-3, 3:-3]
    # 1x1 conv == per-pixel matmul over channels
    pf = jnp.einsum('bchw,oc->bohw', fm, conv_w) + conv_b[None, :, None, None]
    B, C, H, W = pf.shape
    # saliency map: sum of squared point features over channels
    x = jnp.sum(pf * pf, axis=1, keepdims=True)
    flatX = x.reshape(B, H * W)
    # top-k point selection over the flattened spatial map
    _, flatInds = jax.lax.top_k(flatX, P)
    abs_ = flatInds % W
    ord_ = flatInds // W
    # mapToList: gather point features at (ord, abs) -> [B, P, C]
    flatPF = pf.reshape(B, C, H * W)
    gidx = jnp.broadcast_to(flatInds[:, None, :], (B, C, P))
    pointFeat = jnp.take_along_axis(flatPF, gidx, axis=2).transpose(0, 2, 1)
    # predictDepth=False -> zeros
    depth = jnp.zeros((B, P, 1), dtype=jnp.float32)
    absf = abs_[..., None].astype(jnp.float32)
    ordf = ord_[..., None].astype(jnp.float32)
    points = jnp.concatenate([absf, ordf, depth], axis=-1)
    points_out = jnp.concatenate([absf, ordf, depth, pointFeat], axis=-1)
    batch = jnp.repeat(jnp.arange(B), P)
    pos = points.reshape(B * P, 3)
    pointfeatures = pointFeat.reshape(B * P, C)
    return points_out, batch, pos, pointfeatures

if __name__ == "__main__":
    import jax
    _d = setup_inputs()
    print(jax.jit(kernel)(*tuple(_d.values())))

</pallas_src>

<mosaic_0001>
module attributes {stable_mosaic.version = 14 : i64} {
  func.func @_conv_body(%arg0: i32, %arg1: i32, %arg2: memref<1x96x4096xf32, #tpu.memory_space<vmem>>, %arg3: memref<16x96xf32, #tpu.memory_space<vmem>>, %arg4: memref<16xf32, #tpu.memory_space<vmem>>, %arg5: memref<1x16x4096xf32, #tpu.memory_space<vmem>>, %arg6: memref<1x1x4096xf32, #tpu.memory_space<vmem>>, %arg7: memref<1x1x1x512xf32, #tpu.memory_space<vmem>>) attributes {dimension_semantics = [#tpu.dimension_semantics<arbitrary>, #tpu.dimension_semantics<arbitrary>], iteration_bounds = array<i64: 4, 64>, scalar_prefetch = 0 : i64, scratch_operands = 0 : i64, tpu.core_type = #tpu.core_type<tc>, window_params = [{transform_indices = @transform_0, window_bounds = array<i64: 1, 96, 4096>}, {pipeline_mode = #tpu.pipeline_mode<synchronous>, transform_indices = @transform_1, window_bounds = array<i64: 16, 96>}, {pipeline_mode = #tpu.pipeline_mode<synchronous>, transform_indices = @transform_2, window_bounds = array<i64: 16>}, {transform_indices = @transform_3, window_bounds = array<i64: 1, 16, 4096>}, {transform_indices = @transform_4, window_bounds = array<i64: 1, 1, 4096>}, {transform_indices = @transform_5, window_bounds = array<i64: 1, 1, 1, 512>}]} {
    %get3A = arith.constant 0 : index
    %get3A_0 = arith.constant 0 : index
    %get3A_1 = arith.constant 0 : index
    %get3A_2 = vector.load %arg2[%get3A, %get3A_0, %get3A_1] : memref<1x96x4096xf32, #tpu.memory_space<vmem>>, vector<1x96x4096xf32>
    %get3A_3 = vector.shape_cast %get3A_2 : vector<1x96x4096xf32> to vector<96x4096xf32>
    %convert_element_type3A = arith.truncf %get3A_3 : vector<96x4096xf32> to vector<96x4096xbf16>
    %get3A_4 = arith.constant 0 : index
    %get3A_5 = arith.constant 0 : index
    %get3A_6 = vector.load %arg3[%get3A_4, %get3A_5] : memref<16x96xf32, #tpu.memory_space<vmem>>, vector<16x96xf32>
    %convert_element_type3A_7 = arith.truncf %get3A_6 : vector<16x96xf32> to vector<16x96xbf16>
    %dot_general3A = arith.constant dense<0.000000e+00> : vector<4096x16xf32>
    %dot_general3A_8 = tpu.matmul %convert_element_type3A, %convert_element_type3A_7, %dot_general3A {dimension_numbers = #tpu.dot_dimension_numbers<[0], [1], [1], [0], [0, 1, 1, 0], [], []>, transpose_lhs_hint = false} : vector<96x4096xbf16>, vector<16x96xbf16>, vector<4096x16xf32> -> vector<4096x16xf32>
    %get3A_9 = arith.constant 0 : index
    %get3A_10 = vector.load %arg4[%get3A_9] : memref<16xf32, #tpu.memory_space<vmem>>, vector<16xf32>
    %broadcast_in_dim3A = vector.shape_cast %get3A_10 : vector<16xf32> to vector<1x16xf32>
    %add3A = vector.broadcast %broadcast_in_dim3A : vector<1x16xf32> to vector<4096x16xf32>
    %add3A_11 = arith.addf %dot_general3A_8, %add3A : vector<4096x16xf32>
    %mul3A = arith.mulf %add3A_11, %add3A_11 : vector<4096x16xf32>
    %reduce_sum3A = arith.constant dense<0.000000e+00> : vector<4096xf32>
    %reduce_sum3A_12 = vector.multi_reduction <add>, %mul3A, %reduce_sum3A [1] : vector<4096x16xf32> to vector<4096xf32>
    %dot_general3A_13 = arith.constant dense<0.000000e+00> : vector<16x4096xf32>
    %dot_general3A_14 = tpu.matmul %convert_element_type3A_7, %convert_element_type3A, %dot_general3A_13 {dimension_numbers = #tpu.dot_dimension_numbers<[1], [0], [0], [1], [0, 0, 1, 1], [], []>, transpose_lhs_hint = false} : vector<16x96xbf16>, vector<96x4096xbf16>, vector<16x4096xf32> -> vector<16x4096xf32>
    %get3A_15 = arith.constant 0 : index
    %get3A_16 = vector.load %arg4[%get3A_15] : memref<16xf32, #tpu.memory_space<vmem>>, vector<16xf32>
    %broadcast_in_dim3A_17 = vector.shape_cast %get3A_16 : vector<16xf32> to vector<16x1xf32>
    %add3A_18 = vector.broadcast %broadcast_in_dim3A_17 : vector<16x1xf32> to vector<16x4096xf32>
    %add3A_19 = arith.addf %dot_general3A_14, %add3A_18 : vector<16x4096xf32>
    %swap3A = arith.constant 0 : index
    %swap3A_20 = arith.constant 0 : index
    %swap3A_21 = arith.constant 0 : index
    %swap3A_22 = vector.load %arg5[%swap3A, %swap3A_20, %swap3A_21] : memref<1x16x4096xf32, #tpu.memory_space<vmem>>, vector<1x16x4096xf32>
    %swap3A_23 = vector.shape_cast %swap3A_22 : vector<1x16x4096xf32> to vector<16x4096xf32>
    %swap3A_24 = vector.shape_cast %add3A_19 : vector<16x4096xf32> to vector<1x16x4096xf32>
    tpu.vector_store %arg5[%swap3A, %swap3A_20, %swap3A_21], %swap3A_24 {strides = array<i32>} : memref<1x16x4096xf32, #tpu.memory_space<vmem>>, vector<1x16x4096xf32>,
    %mul3A_25 = arith.constant 4096 : i32
    %mul3A_26 = arith.muli %arg1, %mul3A_25 : i32
    %iota3A = tpu.iota {dimensions = array<i32: 1>} : vector<1x4096xi32>
    %iota3A_27 = vector.shape_cast %iota3A : vector<1x4096xi32> to vector<4096xi32>
    %add3A_28 = vector.broadcast %mul3A_26 : i32 to vector<4096xi32>
    %add3A_29 = arith.addi %add3A_28, %iota3A_27 : vector<4096xi32>
    %shift_right_arithmetic3A = arith.constant 9 : i32
    %shift_right_arithmetic3A_30 = vector.broadcast %shift_right_arithmetic3A : i32 to vector<4096xi32>
    %shift_right_arithmetic3A_31 = arith.shrsi %add3A_29, %shift_right_arithmetic3A_30 : vector<4096xi32>
    %and3A = arith.constant 511 : i32
    %and3A_32 = vector.broadcast %and3A : i32 to vector<4096xi32>
    %and3A_33 = arith.andi %add3A_29, %and3A_32 : vector<4096xi32>
    %ge3A = arith.constant 3 : i32
    %ge3A_34 = vector.broadcast %ge3A : i32 to vector<4096xi32>
    %ge3A_35 = arith.cmpi sge, %shift_right_arithmetic3A_31, %ge3A_34 : vector<4096xi32>
    %lt3A = arith.constant 509 : i32
    %lt3A_36 = vector.broadcast %lt3A : i32 to vector<4096xi32>
    %lt3A_37 = arith.cmpi slt, %shift_right_arithmetic3A_31, %lt3A_36 : vector<4096xi32>
    %and3A_38 = arith.andi %ge3A_35, %lt3A_37 : vector<4096xi1>
    %ge3A_39 = arith.constant 3 : i32
    %ge3A_40 = vector.broadcast %ge3A_39 : i32 to vector<4096xi32>
    %ge3A_41 = arith.cmpi sge, %and3A_33, %ge3A_40 : vector<4096xi32>
    %and3A_42 = arith.andi %and3A_38, %ge3A_41 : vector<4096xi1>
    %lt3A_43 = arith.constant 509 : i32
    %lt3A_44 = vector.broadcast %lt3A_43 : i32 to vector<4096xi32>
    %lt3A_45 = arith.cmpi slt, %and3A_33, %lt3A_44 : vector<4096xi32>
    %and3A_46 = arith.andi %and3A_42, %lt3A_45 : vector<4096xi1>
    %jit3A = arith.constant -1.000000e+00 : f32
    %broadcast_in_dim3A_47 = vector.broadcast %jit3A : f32 to vector<4096xf32>
    %select_n3A = arith.select %and3A_46, %reduce_sum3A_12, %broadcast_in_dim3A_47 : vector<4096xi1>, vector<4096xf32>
    %swap3A_48 = arith.constant 0 : index
    %swap3A_49 = arith.constant 0 : index
    %swap3A_50 = arith.constant 0 : index
    %swap3A_51 = vector.load %arg6[%swap3A_48, %swap3A_49, %swap3A_50] : memref<1x1x4096xf32, #tpu.memory_space<vmem>>, vector<1x1x4096xf32>
    %swap3A_52 = vector.shape_cast %swap3A_51 : vector<1x1x4096xf32> to vector<4096xf32>
    %swap3A_53 = vector.shape_cast %select_n3A : vector<4096xf32> to vector<1x1x4096xf32>
    tpu.vector_store %arg6[%swap3A_48, %swap3A_49, %swap3A_50], %swap3A_53 {strides = array<i32>} : memref<1x1x4096xf32, #tpu.memory_space<vmem>>, vector<1x1x4096xf32>,
    %slice3A = vector.extract_strided_slice %select_n3A {offsets = [0], sizes = [512], strides = [1]} : vector<4096xf32> to vector<512xf32>
    %slice3A_54 = vector.extract_strided_slice %select_n3A {offsets = [512], sizes = [512], strides = [1]} : vector<4096xf32> to vector<512xf32>
    %max3A = arith.maximumf %slice3A, %slice3A_54 : vector<512xf32>
    %slice3A_55 = vector.extract_strided_slice %select_n3A {offsets = [1024], sizes = [512], strides = [1]} : vector<4096xf32> to vector<512xf32>
    %max3A_56 = arith.maximumf %max3A, %slice3A_55 : vector<512xf32>
    %slice3A_57 = vector.extract_strided_slice %select_n3A {offsets = [1536], sizes = [512], strides = [1]} : vector<4096xf32> to vector<512xf32>
    %max3A_58 = arith.maximumf %max3A_56, %slice3A_57 : vector<512xf32>
    %slice3A_59 = vector.extract_strided_slice %select_n3A {offsets = [2048], sizes = [512], strides = [1]} : vector<4096xf32> to vector<512xf32>
    %max3A_60 = arith.maximumf %max3A_58, %slice3A_59 : vector<512xf32>
    %slice3A_61 = vector.extract_strided_slice %select_n3A {offsets = [2560], sizes = [512], strides = [1]} : vector<4096xf32> to vector<512xf32>
    %max3A_62 = arith.maximumf %max3A_60, %slice3A_61 : vector<512xf32>
    %slice3A_63 = vector.extract_strided_slice %select_n3A {offsets = [3072], sizes = [512], strides = [1]} : vector<4096xf32> to vector<512xf32>
    %max3A_64 = arith.maximumf %max3A_62, %slice3A_63 : vector<512xf32>
    %slice3A_65 = vector.extract_strided_slice %select_n3A {offsets = [3584], sizes = [512], strides = [1]} : vector<4096xf32> to vector<512xf32>
    %max3A_66 = arith.maximumf %max3A_64, %slice3A_65 : vector<512xf32>
    %swap3A_67 = arith.constant 0 : index
    %swap3A_68 = arith.constant 0 : index
    %swap3A_69 = arith.constant 0 : index
    %swap3A_70 = arith.constant 0 : index
    %swap3A_71 = vector.load %arg7[%swap3A_67, %swap3A_68, %swap3A_69, %swap3A_70] : memref<1x1x1x512xf32, #tpu.memory_space<vmem>>, vector<1x1x1x512xf32>
    %swap3A_72 = vector.shape_cast %swap3A_71 : vector<1x1x1x512xf32> to vector<512xf32>
    %swap3A_73 = vector.shape_cast %max3A_66 : vector<512xf32> to vector<1x1x1x512xf32>
    tpu.vector_store %arg7[%swap3A_67, %swap3A_68, %swap3A_69, %swap3A_70], %swap3A_73 {strides = array<i32>} : memref<1x1x1x512xf32, #tpu.memory_space<vmem>>, vector<1x1x1x512xf32>,
    return
  }
  func.func @transform_0(%arg0: i32, %arg1: i32) -> (i32, i32, i32) {
    %c0_i32 = arith.constant 0 : i32
    %c0_i32_0 = arith.constant 0 : i32
    return %arg0, %c0_i32, %arg1 : i32, i32, i32
  }
  func.func @transform_1(%arg0: i32, %arg1: i32) -> (i32, i32) {
    %c0_i32 = arith.constant 0 : i32
    %c0_i32_0 = arith.constant 0 : i32
    %c0_i32_1 = arith.constant 0 : i32
    return %c0_i32, %c0_i32_0 : i32, i32
  }
  func.func @transform_2(%arg0: i32, %arg1: i32) -> i32 {
    %c0_i32 = arith.constant 0 : i32
    %c0_i32_0 = arith.constant 0 : i32
    return %c0_i32 : i32
  }
  func.func @transform_3(%arg0: i32, %arg1: i32) -> (i32, i32, i32) {
    %c0_i32 = arith.constant 0 : i32
    %c0_i32_0 = arith.constant 0 : i32
    return %arg0, %c0_i32, %arg1 : i32, i32, i32
  }
  func.func @transform_4(%arg0: i32, %arg1: i32) -> (i32, i32, i32) {
    %c0_i32 = arith.constant 0 : i32
    %c0_i32_0 = arith.constant 0 : i32
    return %arg0, %c0_i32, %arg1 : i32, i32, i32
  }
  func.func @transform_5(%arg0: i32, %arg1: i32) -> (i32, i32, i32, i32) {
    %c0_i32 = arith.constant 0 : i32
    %c0_i32_0 = arith.constant 0 : i32
    %c0_i32_1 = arith.constant 0 : i32
    return %arg0, %arg1, %c0_i32, %c0_i32_0 : i32, i32, i32, i32
  }
}

</mosaic_0001>

<sc_bundles>
// kernel: gather_offload_async_start
scs
__scs_entry_jumppad:
0x0: {  	(pc) =	sbr.rel $0x88, $3  }
0x1: {  	(tag) =	ssettag $0x0;
	lr =	simm.s32 $0x1  }
0x2: {  	[smem:$0x3F9E] =	sst lr;
	_ =	strace $0xD0000000  }
0x3: {  	_ = 	snop  }
0x4: {  	_ = 	snop  }
0x5: {  	_ = 	snop  }
0x6: {  	_ = 	snop  }
0x7: {  	_ = 	snop  }
__scs_overlays_trampoline_lowered:
0x8: {  	[smem:$0x3FAD] =	sst s0  }
0x9: {  	[smem:$0x3FAE] =	sst s1  }
0xa: {  	[smem:$0x3FAF] =	sst s2  }
0xb: {  	[smem:$0x3FB0] =	sst s3  }
0xc: {  	[smem:$0x3FB1] =	sst s4  }
0xd: {  	[smem:$0x3FB2] =	sst s5  }
0xe: {  	[smem:$0x3FB3] =	sst s6  }
0xf: {  	[smem:$0x3FB4] =	sst s7  }
0x10: {  	[smem:$0x3FB5] =	sst s8  }
0x11: {  	[smem:$0x3FB6] =	sst s9;
	s0 =	simm.s32 @!p0 $0x0  }
0x12: {  	s1 =	sld [smem:$0x3F9C];
	s0 =	simm.s32 @p0 $0x1  }
0x13: {  	[smem:$0x3FB7] =	sst s0;
	s0 =	simm.s32 @!p1 $0x0  }
0x14: {  	s2 =	sld [smem:$0x3F9B];
	s0 =	simm.s32 @p1 $0x1  }
0x15: {  	[smem:$0x3FB8] =	sst s0;
	s0 =	simm.s32 @!p2 $0x0  }
0x16: {  	s3 =	sld [smem:$0x3FDB];
	s0 =	simm.s32 @p2 $0x1  }
0x17: {  	s4 =	simm.s32 $0x1BF5;
	[smem:$0x3FBA] =	sst s0  }
0x18: {  	s0 =	sld [smem:$0x3F9D];
	_ =	swait.ge [sflag:s4], $0x0  }
0x19: {  	s7 =	sld [smem:$0x3F9E]  }
0x1a: {  	s8 =	sadd.s32 $0xFFFFE003, lr  }
0x1b: {  	s9 =	sadd.s32 $0xFFFFFEF7, lr;
	s5 =	simm.s32 $0xFFFFFFFF;
	p2 =	slt.u32 s8, $0xFFFFF086  }
0x1c: {  	p1 =	slt.u32 s9, $0xF7A;
	s5 =	simm.s32 @!p2 $0x0  }
0x1d: {  	s5 =	simm.s32 @p1 $0x1;
	p0 =	seq.s32 s7, s2  }
0x1e: {  	s7 =	smul.u32 @!p0 $0xF7A, s2;
	p2 =	seq.s32 @!p0 s5, $0x0  }
0x1f: {  	s9 =	smul.u32 $0xF7A, s1;
	s8 =	simm.s32 @!p0 $0x1BF5;
	p2 =	por !p2, p0  }
0x20: {  	[sflag:s8] =	ssyncset.s32 @!p0 $0xFFFFF086;
	s6 =	sadd.s32 @!p0 s3, s7;
	s7 =	simm.s32 @!p0 $0x108  }
0x21: {  	s3 =	sadd.s32 s3, s9;
	s6 =	sadd.s32 @!p0 $0x88, s6;
	s7 =	simm.s32 @p2 $0x1082  }
0x22: {  	[simem:s7], [sflag:s8] =	dma.local @!p0 [hbm:s6], $0xF7A  }
0x23: {  	s9 =	sor.u32 $0xD0000000, s2;
	s6 =	simm.s32 $0x108;
	_ =	swait.ge @!p0 [sflag:s8], $0x0  }
0x24: {  	s3 =	sadd.s32 $0x88, s3;
	s6 =	simm.s32 @!p1 $0x1082;
	[sflag:s4] =	ssyncset.s32 $0xFFFFF086  }
0x25: {  	[simem:s6], [sflag:s4] =	dma.local [hbm:s3], $0xF7A  }
0x26: {  	[smem:$0x3F9E] =	sst s1;
	(tag) =	ssettag s2;
	_ =	strace s9  }
0x27: {  	s1 =	sld [smem:$0x3FAE]  }
0x28: {  	s2 =	sld [smem:$0x3FAF]  }
0x29: {  	s4 =	sld [smem:$0x3FB1]  }
0x2a: {  	p0 =	seq.s32 s5, $0x0;
	s5 =	sld [smem:$0x3FB2]  }
0x2b: {  	s6 =	sld [smem:$0x3FB3]  }
0x2c: {  	s7 =	sld [smem:$0x3FB4]  }
0x2d: {  	s3 =	simm.s32 $0x108;
	s8 =	sld [smem:$0x3FB5]  }
0x2e: {  	s3 =	simm.s32 @!p0 $0x1082;
	s9 =	sld [smem:$0x3FB6]  }
0x2f: {  	lr =	sadd.s32 s0, s3;
	s0 =	sld [smem:$0x3FAD]  }
0x30: {  	s3 =	sld [smem:$0x3FB0]  }
0x31: {  	[smem:$0x3FB9] =	sst s10  }
0x32: {  	s10 =	sld [smem:$0x3FB7];
	_ =	sdelay $0x3  }
0x33: {  	p0 =	seq.s32 s10, $0x1;
	s10 =	sld [smem:$0x3FB9];
	_ =	sdelay $0x3  }
0x34: {  	[smem:$0x3FB9] =	sst s10  }
0x35: {  	s10 =	sld [smem:$0x3FB8];
	_ =	sdelay $0x3  }
0x36: {  	p1 =	seq.s32 s10, $0x1;
	s10 =	sld [smem:$0x3FB9];
	_ =	sdelay $0x3  }
0x37: {  	[smem:$0x3FB9] =	sst s10  }
0x38: {  	s10 =	sld [smem:$0x3FBA]  }
0x39: {  	_ = 	snop;
	(pc) =	sbr.ind lr, $3  }
0x3a: {  	_ = 	snop  }
0x3b: {  	_ = 	snop  }
0x3c: {  	p2 =	seq.s32 s10, $0x1;
	s10 =	sld [smem:$0x3FB9]  }
0x3d: {  	_ =	shalt  }
0x3e: {  	_ =	shalt  }
0x3f: {  	_ =	shalt  }
0x40: {  	_ =	shalt  }
0x41: {  	_ =	shalt  }
0x42: {  	_ =	shalt  }
0x43: {  	_ =	shalt  }
0x44: {  	_ =	shalt  }
0x45: {  	_ =	shalt  }
0x46: {  	_ =	shalt  }
0x47: {  	_ =	shalt  }
0x48: {  	_ =	shalt  }
0x49: {  	_ =	shalt  }
0x4a: {  	_ =	shalt  }
0x4b: {  	_ =	shalt  }
0x4c: {  	_ =	shalt  }
0x4d: {  	_ =	shalt  }
0x4e: {  	_ =	shalt  }
0x4f: {  	_ =	shalt  }
0x50: {  	_ =	shalt  }
0x51: {  	_ =	shalt  }
0x52: {  	_ =	shalt  }
0x53: {  	_ =	shalt  }
0x54: {  	_ =	shalt  }
0x55: {  	_ =	shalt  }
0x56: {  	_ =	shalt  }
0x57: {  	_ =	shalt  }
0x58: {  	_ =	shalt  }
0x59: {  	_ =	shalt  }
0x5a: {  	_ =	shalt  }
0x5b: {  	_ =	shalt  }
0x5c: {  	_ =	shalt  }
0x5d: {  	_ =	shalt  }
0x5e: {  	_ =	shalt  }
0x5f: {  	_ =	shalt  }
0x60: {  	_ =	shalt  }
0x61: {  	_ =	shalt  }
0x62: {  	_ =	shalt  }
0x63: {  	_ =	shalt  }
0x64: {  	_ =	shalt  }
0x65: {  	_ =	shalt  }
0x66: {  	_ =	shalt  }
0x67: {  	_ =	shalt  }
0x68: {  	_ =	shalt  }
0x69: {  	_ =	shalt  }
0x6a: {  	_ =	shalt  }
0x6b: {  	_ =	shalt  }
0x6c: {  	_ =	shalt  }
0x6d: {  	_ =	shalt  }
0x6e: {  	_ =	shalt  }
0x6f: {  	_ =	shalt  }
0x70: {  	_ =	shalt  }
0x71: {  	_ =	shalt  }
0x72: {  	_ =	shalt  }
0x73: {  	_ =	shalt  }
0x74: {  	_ =	shalt  }
0x75: {  	_ =	shalt  }
0x76: {  	_ =	shalt  }
0x77: {  	_ =	shalt  }
0x78: {  	_ =	shalt  }
0x79: {  	_ =	shalt  }
0x7a: {  	_ =	shalt  }
0x7b: {  	_ =	shalt  }
0x7c: {  	_ =	shalt  }
0x7d: {  	_ =	shalt  }
0x7e: {  	_ =	shalt  }
0x7f: {  	_ =	shalt  }
0x80: {  	_ =	shalt  }
0x81: {  	_ =	shalt  }
0x82: {  	_ =	shalt  }
0x83: {  	_ =	shalt  }
0x84: {  	_ =	shalt  }
0x85: {  	_ =	shalt  }
0x86: {  	_ =	shalt  }
0x87: {  	_ =	shalt  }
.Lfunc_end0:
.L_simem_size_0:
called_computation_lowered:
.L_overlay_start_0:
0x88: {  	s2 =	sld [smem:$0x3FD9]  }
0x89: {  	s3 =	sld [smem:$0x3FFE];
	_ =	sdelay $0x1  }
0x8a: {  	s1 =	srdreg.scid  }
0x8b: {  	s0 =	sand.u32 $0x1, s1  }
0x8c: {  	s14 =	sshll.u32 s0, $0xA;
	s2 =	sadd.s32 s3, s2  }
0x8d: {  	s2 =	sadd.s32 s2, s14  }
0x8e: {  	[smem:$0x3FC5] =	sst s2  }
0x8f: {  	_ = 	snop  }
0x90: {  	s2 =	sld [smem:$0x3FD0];
	_ =	sdelay $0x2  }
0x91: {  	s15 =	simm.s32 $0xA;
	s4 =	simm.s32 $0x10  }
0x92: {  	[smem:s4], [sflag:s15] =	dma.local [hbm:s2], $0x1  }
0x93: {  	_ =	swait.eq [sflag:s15], $0x1  }
0x94: {  	[sflag:s15] =	ssyncset.done $0x0  }
0x95: {  	s16 =	sld [smem:$0x10];
	[sflag:s15] =	ssyncadd.s32 $0xFFFFFFFF  }
0x96: {  	s17 =	sld [smem:$0x13];
	(tm) =	ssettm $0x1  }
0x97: {  	s18 =	sld [smem:$0x3FFB];
	_ =	sdelay $0x3  }
0x98: {  	_ =	strace s18  }
0x99: {  	s4 =	sld [smem:$0x3FFC];
	_ =	sdelay $0x3  }
0x9a: {  	_ =	strace s4  }
0x9b: {  	s4 =	sld [smem:$0x3FFD];
	_ =	sdelay $0x3  }
0x9c: {  	_ =	strace s4  }
0x9d: {  	_ =	strace $0x8FFFFFFF  }
0x9e: {  	s19 =	sld [smem:$0x3FDB];
	_ =	sdelay $0x1  }
0x9f: {  	s5 =	simm.s32 $_scs_section_size  }
0xa0: {  	s6 =	simm.s32 $_size__tile_overlayer_lowered;
	s7 =	simm.s32 $_tile_overlayer_lowered  }
0xa1: {  	s22 =	simm.s32 $0x1BFF;
	s21 =	sshll.u32 s7, $0x1;
	s4 =	sadd.s32 s5, s19  }
0xa2: {  	s8 =	simm.s32 $0x0;
	s20 =	sshll.u32 s6, $0x1;
	s6 =	sadd.s32 s21, s4  }
0xa3: {  	[timem:s8], [sflag:s22] =	dma.local [hbm:s6], s20  }
0xa4: {  	_ =	swait.ge [sflag:s22], s20  }
0xa5: {  	s5 =	ssub.s32 $0x0, s20;
	[sflag:s22] =	ssyncset.done $0x0  }
0xa6: {  	[sflag:s22] =	ssyncadd.s32 s5;
	_ =	sdelay $0x1  }
0xa7: {  	s23 =	simm.s32 $0x1B8B  }
0xa8: {  	_ =	swait.ge [sflag:s23], $0x1  }
0xa9: {  	[sflag:s23] =	ssyncset.done $0x0  }
0xaa: {  	s25 =	simm.s32 $0x1B8E;
	s24 =	sld [smem:$0x3FFE];
	[sflag:s23] =	ssyncadd.s32 $0xFFFFFFFF  }
0xab: {  	s26 =	simm.s32 $execute0_lowered;
	[smem:$0x3FD2] =	sst s25  }
0xac: {  	s6 =	sshll.u32 s26, $0x1;
	_ =	strace $0x80000046;
	[dreg:$0x1] =	wrdreg $0xFFFFFFFF  }
0xad: {  	s28 =	simm.s32 $_size_execute0_lowered;
	s4 =	sadd.s32 s4, s6;
	[dreg:$0x0] =	wrdreg $0x0  }
0xae: {  	s6 =	sshll.u32 s28, $0x1;
	[dreg:$0x2] =	wrdreg s4  }
0xaf: {  	[dreg:$0x3] =	wrdreg s6  }
0xb0: {  	[dreg:$0x4] =	wrdreg $0xC0  }
0xb1: {  	_ =	task [dreg:s8], $0x5FFFF  }
0xb2: {  	[dreg:$0x1] =	wrdreg $0xFFFFFFFF  }
0xb3: {  	[dreg:$0x0] =	wrdreg $0x60  }
0xb4: {  	[dreg:$0x2] =	wrdreg s24  }
0xb5: {  	[dreg:$0x3] =	wrdreg s17  }
0xb6: {  	[dreg:$0x4] =	wrdreg s16  }
0xb7: {  	[dreg:$0x5] =	wrdreg $0x9  }
0xb8: {  	_ =	task.clear_ibuf [dreg:s8], $0x6FFFF;
	_ =	strace $0x90000046  }
0xb9: {  	s29 =	simm.s32 $0x9;
	_ =	strace $0x80000048  }
0xba: {  	_ =	swait.ge [sflag:s29], $0x1  }
0xbb: {  	[sflag:s29] =	ssyncadd.s32 $0xFFFFFFFF  }
0xbc: {  	_ =	strace $0x90000048  }
0xbd: {  	_ =	sfence  }
0xbe: {  	s30 =	sld [smem:$0x0];
	_ =	sdelay $0x2  }
0xbf: {  	s31 =	sshll.u32 s1, $0xD;
	s1 =	sshrl.u32 s1, $0x2  }
0xc0: {  	s3 =	sand.u32 $0x4000, s31;
	s1 =	sadd.s32 s1, s30  }
0xc1: {  	s0 =	sor.u32 s3, s0;
	s1 =	sshll.u32 s1, $0x11  }
0xc2: {  	s0 =	sor.u32 s1, s0  }
0xc3: {  	s0 =	sadd.s32 $0x8F2B, s0  }
0xc4: {  	[sflag:s0] =	ssyncadd.remote.s32 $0x1  }
0xc5: {  	_ =	sfence.sel $0xFFFF  }
0xc6: {  	[dreg:$0x0] =	wrdreg $0xFFFFFFFF;
	(pc) =	sbr.abs _section_cstart, $3  }
0xc7: {  	[dreg:$0x1] =	wrdreg $0xFFFFFFFF  }
0xc8: {  	_ =	task.clear_ibuf [dreg:s8], $0x2FFFF;
	_ =	strace $0x9FFFFFFF  }
0xc9: {  	(tm) =	ssettm $0x7FFFFFFF  }
tec
execute0_lowered:
.L_overlay_start_1:
0x0: {  	(tag) =	ssettag $0x1  }
0x1: {  	s5 =	rddreg [dreg:$0x0]  }
0x2: {  	s1 =	srdreg.scid;
	s2 =	rddreg [dreg:$0x1]  }
0x3: {  	s0 =	stileid.u32;
	s3 =	rddreg [dreg:$0x2]  }
0x4: {  	s9 =	simm.s32 $0x1;
	s10 =	simm.s32 $0x3;
	s1 =	sshll.u32 s1, $0xA  }
0x5: {  	s13 =	simm.s32 $0x0;
	s4 =	sshll.u32 s0, $0xB;
	s6 =	sand.u32 $0x400, s1  }
0x6: {  	s12 =	simm.s32 $0x0;
	s5 =	sadd.s32 $0xC04000, s5;
	s4 =	sor.u32 s4, s6  }
0x7: {  	s1 =	rddreg [dreg:$0x3];
	_ =	strace $0x80000047;
	s8 =	ssub.s32 $0x10000, s4  }
.Ltmp0:
0x8: {  	s6 =	simm.s32 $0x1;
	s7 =	sand.u32 $0x7C00, s8;
	(pc) =	sbr.rel .LBB2_1-.Ltmp0, $4  }
0x9: {  	[sflag:s6] =	ssyncpa.u1 $0x0;
	s11 =	smov.u32 s4;
	p0 =	sne.s32 s7, $0x0  }
0xa: {  	s8 =	sshrl.u32 s8, $0xF;
	s7 =	simm.s32 $0x2;
	s9 =	simm.s32 @!p0 $0x0  }
0xb: {  	[sflag:s7] =	ssyncpa.u1 $0x0;
	p0 =	por $0x0, $0x0;
	s8 =	sadd.s32 s9, s8  }
0xc: {  	vm0 =	vmmov $0xffff;
	[sflag:s10] =	ssyncpa.u1 $0x0;
	s10 =	simm.s32 $0x0;
	s9 =	sadd.s32 $0x1, s8  }
.LBB2_4:
0xd: {  	v3 =	vshrl.u32 v0, $0x2;
	v4 =	vshrl.u32 v0, $0x6;
	v1 =	vor.u32 v1, v2  }
0xe: {  	v62 =	vshll.u32 v0, $0x16;
	v60 =	vand.u32 $0xF, v3;
	v61 =	vand.u32 $0x3FFFF, v4  }
0xf: {  	v0 =	vand.u32 $0xC00000, v62;
	v2 =	vsel vm1, $0xFFFFFFFF, v60;
	v3 =	vsel vm1, $0xFFFFFFFF, v61  }
0x10: {  	v0 =	vsel vm1, $0xFFC00000, v0;
	v63 =	vand.u32 $0x7F, v3;
	v5 =	vshll.u32 v2, $0x12  }
0x11: {  	v3 =	vshll.u32 v3, $0x3;
	v5 =	vand.u32 $0xFFE00000, v5;
	v0 =	vor.u32 v0, v63  }
0x12: {  	v2 =	vshll.u32 v2, $0x7;
	v3 =	vand.u32 $0xFFFFFC00, v3;
	v0 =	vadd.s32 v5, v0  }
0x13: {  	v2 =	vand.u32 $0x380, v2;
	v0 =	vadd.s32 v3, v0  }
0x14: {  	v0 =	vor.u32 v2, v0;
	_ =	sdelay $0x1  }
0x15: {  	(ifvalue) =	ssetifvalue $0x7FFFFFFF;
	s14 =	sadd.s32 $0x10, s14  }
0x16: {  	[tilespmem:s14], [sflag:$0x1] =	stream.indirect_vreg.gather [hbm4b:s5+s10], $0x1, v1, vm0, $0x4038;
	[tilespmem:$0x1000] =	vst v63  }
0x17: {  	(ifvalue) =	ssetifvalue $0x7FFFFFFF;
	s14 =	sadd.s32 $0x10, s14  }
0x18: {  	[tilespmem:s14], [sflag:$0x1] =	stream.indirect_vreg.gather [hbm4b:s5+s10], $0x1, v0, vm0, $0x4038;
	[tilespmem:$0x1000] =	vst v63  }
0x19: {  	_ =	swait.ge [sflag:s6], $0x400  }
0x1a: {  	s30 =	sshrl.u32 s13, $0x3;
	[sflag:s6] =	ssyncset.done $0x0  }
0x1b: {  	s31 =	sand.u32 $0x7, s13;
	s14 =	sadd.s32 s3, s30;
	[sflag:s6] =	ssyncadd.s32 $0xFFFFFC00  }
0x1c: {  	[hbm4b:s14+s31] =	stream.linear.scatter [tilespmem:s15], [sflag:$0x3], $0x400, $0x38;
	[tilespmem:$0x1000] =	vst v63  }
.LBB2_5:
0x1d: {  	s15 =	sadd.s32 $0x8000, s11  }
0x1e: {  	p2 =	sgt.s32 s15, $0xFFFF  }
0x1f: {  	s15 =	smov.u32 @p2 s4;
	p2 =	sne.s32 s12, s9  }
.Ltmp1:
0x20: {  	p1 =	slt.u32 s12, $0x2;
	(pc) =	sbr.rel @!p2 .LBB2_6-.Ltmp1, $4  }
0x21: {  	s14 =	simm.s32 @!p1 $0x3  }
0x22: {  	s16 =	sadd.s32 $0x1, s12;
	_ =	swait.ge @!p1 [sflag:s14], $0x400  }
0x23: {  	s13 =	smov.u32 s11;
	p0 =	por !p0, !p0;
	[sflag:s14] =	ssyncset.done @!p1 $0x0  }
0x24: {  	s12 =	smov.u32 s16;
	s11 =	smov.u32 s15;
	[sflag:s14] =	ssyncadd.s32 @!p1 $0xFFFFFC00  }
.LBB2_1:
0x25: {  	p1 =	sge.u32 s12, s8  }
0x26: {  	s14 =	sxor.u32 @!p1 $0xFFFFFFFF, s12  }
0x27: {  	s31 =	sadd.s32 $0xFFFFFFFF, s12;
	s15 =	sshrl.u32 @!p1 s11, $0x3;
	s14 =	sshll.u32 @!p1 s14, $0xA  }
0x28: {  	s16 =	sand.u32 @!p1 $0x7, s11;
	s15 =	sadd.s32 @!p1 s2, s15;
	s14 =	sand.u32 @!p1 $0x400, s14  }
0x29: {  	[tilespmem:s14], [sflag:$0x2] =	stream.linear.gather @!p1 [hbm4b:s15+s16], $0x400, $0x38;
	[tilespmem:$0x1000] =	vst v63  }
0x2a: {  	p1 =	sge.u32 s31, s8  }
.Ltmp2:
0x2b: {  	_ = 	snop;
	(pc) =	sbr.rel @p1 .LBB2_5-.Ltmp2, $1  }
0x2c: {  	_ =	sdelay $0x3  }
0x2d: {  	s14 =	simm.s32 $0x1  }
0x2e: {  	_ =	swait.ge [sflag:s7], $0x400;
	s14 =	simm.s32 @!p0 $0x0  }
0x2f: {  	[sflag:s7] =	ssyncset.done $0x0;
	s14 =	sshll.u32 s14, $0xA  }
0x30: {  	[sflag:s7] =	ssyncadd.s32 $0xFFFFFC00;
	(ifvalue) =	ssetifvalue $0x7FFFFFFF;
	v0 =	vld.msk [tilespmem:s14+$0x0 ss:$0x1], $0xffff;
	_ =	sdelay $0x4  }
0x31: {  	s15 =	sadd.s32 $0x10, s14;
	vm1 =	veq.s32 v0, $0x80000000;
	v1 =	vshrl.u32 v0, $0x2;
	v2 =	vshrl.u32 v0, $0x6  }
0x32: {  	v3 =	vld.msk [tilespmem:s15+$0x0 ss:$0x1], $0xffff;
	v0 =	vshll.u32 v0, $0x16;
	v1 =	vand.u32 $0xF, v1;
	v2 =	vand.u32 $0x3FFFF, v2  }
0x33: {  	v0 =	vand.u32 $0xC00000, v0;
	v1 =	vsel vm1, $0xFFFFFFFF, v1;
	v2 =	vsel vm1, $0xFFFFFFFF, v2  }
0x34: {  	v0 =	vsel vm1, $0xFFC00000, v0;
	v4 =	vand.u32 $0x7F, v2;
	v5 =	vshll.u32 v1, $0x12  }
0x35: {  	v2 =	vshll.u32 v2, $0x3;
	v5 =	vand.u32 $0xFFE00000, v5;
	v0 =	vor.u32 v0, v4  }
0x36: {  	v1 =	vshll.u32 v1, $0x7;
	v2 =	vand.u32 $0xFFFFFC00, v2;
	v0 =	vadd.s32 v5, v0  }
0x37: {  	v62 =	vshrl.u32 v3, $0x6;
	v1 =	vand.u32 $0x380, v1;
	v0 =	vadd.s32 v2, v0  }
0x38: {  	s17 =	sadd.s32 $0x10, s15;
	vm1 =	veq.s32 v3, $0x80000000;
	v2 =	vshrl.u32 v3, $0x2;
	v1 =	vor.u32 v1, v0  }
0x39: {  	v4 =	vand.u32 $0x3FFFF, v62;
	v3 =	vshll.u32 v3, $0x16;
	v0 =	vld.msk [tilespmem:s17+$0x0 ss:$0x1], $0xffff;
	v2 =	vand.u32 $0xF, v2  }
0x3a: {  	v4 =	vsel vm1, $0xFFFFFFFF, v4;
	v3 =	vand.u32 $0xC00000, v3;
	v2 =	vsel vm1, $0xFFFFFFFF, v2  }
0x3b: {  	s31 =	sshll.u32 s12, $0xA;
	v63 =	vand.u32 $0x7F, v4;
	v3 =	vsel vm1, $0xFFC00000, v3;
	v6 =	vshll.u32 v2, $0x12  }
0x3c: {  	s14 =	sor.u32 $0x800, s14;
	s15 =	sand.u32 $0x400, s31;
	v4 =	vshll.u32 v4, $0x3;
	(ifvalue) =	ssetifvalue $0x7FFFFFFF;
	v3 =	vor.u32 v3, v63;
	v6 =	vand.u32 $0xFFE00000, v6  }
0x3d: {  	v4 =	vand.u32 $0xFFFFFC00, v4;
	[tilespmem:s14], [sflag:$0x1] =	stream.indirect_vreg.gather [hbm4b:s5+s10], $0x1, v1, vm0, $0x4038;
	v1 =	vshll.u32 v2, $0x7;
	v2 =	vadd.s32 v6, v3;
	[tilespmem:$0x1000] =	vst v63  }
0x3e: {  	s16 =	simm.s32 $0x20;
	s15 =	sor.u32 $0x800, s15;
	s17 =	sadd.s32 $0x10, s17;
	vm1 =	veq.s32 v0, $0x80000000;
	v1 =	vand.u32 $0x380, v1;
	v2 =	vadd.s32 v4, v2  }
.LBB2_3:
0x3f: {  	v3 =	vld.msk [tilespmem:s17+$0x0 ss:$0x1], $0xffff;
	v4 =	vshrl.u32 v0, $0x2;
	v5 =	vshrl.u32 v0, $0x6;
	v1 =	vor.u32 v1, v2;
	s16 =	sadd.s32 $0x10, s16  }
0x40: {  	v0 =	vshll.u32 v0, $0x16;
	v2 =	vand.u32 $0xF, v4;
	v4 =	vand.u32 $0x3FFFF, v5;
	p1 =	slt.u32 s16, $0x3F0  }
.Ltmp3:
0x41: {  	v0 =	vand.u32 $0xC00000, v0;
	v2 =	vsel vm1, $0xFFFFFFFF, v2;
	v4 =	vsel vm1, $0xFFFFFFFF, v4;
	(pc) =	sbr.rel @p1 .LBB2_3-.Ltmp3, $4  }
0x42: {  	v0 =	vsel vm1, $0xFFC00000, v0;
	v5 =	vand.u32 $0x7F, v4;
	v6 =	vshll.u32 v2, $0x12  }
0x43: {  	s14 =	sadd.s32 $0x10, s14;
	v4 =	vshll.u32 v4, $0x3;
	v6 =	vand.u32 $0xFFE00000, v6;
	v7 =	vor.u32 v0, v5;
	(ifvalue) =	ssetifvalue $0x7FFFFFFF  }
0x44: {  	v2 =	vshll.u32 v2, $0x7;
	v4 =	vand.u32 $0xFFFFFC00, v4;
	v5 =	vadd.s32 v6, v7;
	[tilespmem:s14], [sflag:$0x1] =	stream.indirect_vreg.gather [hbm4b:s5+s10], $0x1, v1, vm0, $0x4038;
	[tilespmem:$0x1000] =	vst v63  }
0x45: {  	s17 =	sadd.s32 $0x10, s17;
	vm1 =	veq.s32 v3, $0x80000000;
	v1 =	vand.u32 $0x380, v2;
	v0 =	vmovc v3;
	v2 =	vadd.s32 v4, v5  }
.Ltmp4:
0x46: {  	_ = 	snop;
	(pc) =	sbr.rel .LBB2_4-.Ltmp4, $1  }
0x47: {  	_ =	sdelay $0x3  }
.LBB2_6:
0x48: {  	_ =	sfence.sel $0x180000  }
0x49: {  	s2 =	simm.s32 $0x2;
	[bflag:$0x0] =	sbarrier.arrive $0xFFFF  }
0x4a: {  	s30 =	simm.s32 $0x3;
	[sflag:s2] =	ssyncpa.u1 $0x1  }
0x4b: {  	s31 =	simm.s32 $0x1;
	[sflag:s30] =	ssyncpa.u1 $0x1  }
0x4c: {  	[sflag:s31] =	ssyncpa.u1 $0x1  }
0x4d: {  	p0 =	sne.s32 s0, $0x0;
	_ =	strace $0x90000047  }
0x4e: {  	s0 =	sadd.s32 @!p0 $0x100000, s1;
	[bflag:$0x2] =	sbarrier.arrive $0xFFFF  }
0x4f: {  	[sflag:s0] =	ssyncadd.tile.s32 @!p0 $0x1;
	_ =	shalt  }
.Lfunc_end2:
_tile_overlayer_lowered:
.L_overlay_start_2:
0x50: {  	(tag) =	ssettag $0x2  }
0x51: {  	s0 =	rddreg [dreg:$0x0];
	s2 =	stileid.u32  }
0x52: {  	s1 =	rddreg [dreg:$0x1];
	p0 =	sne.s32 s2, $0x0  }
0x53: {  	s3 =	rddreg [dreg:$0x2];
	[bflag:$0x3] =	sbarrier.arrive $0xFFFF;
	s2 =	simm.s32 @!p0 $0x1C01  }
0x54: {  	[timem:s3], [sflag:s2] =	dma.local @!p0 [hbm:s0], s1  }
0x55: {  	s0 =	simm.s32 @!p0 $0x1  }
0x56: {  	_ =	swait.ge @!p0 [sflag:s0], s1  }
0x57: {  	s1 =	ssub.s32 @!p0 $0x0, s1;
	[sflag:s0] =	ssyncset.done @!p0 $0x0  }
0x58: {  	[sflag:s0] =	ssyncadd.s32 @!p0 s1  }
0x59: {  	[bflag:$0x3] =	sbarrier.arrive $0xFFFF  }
0x5a: {  	_ =	shalt  }

</sc_bundles>
